<compile_context>
chip_gen: v7x
topology: tpu7x:2x2x1
jax: 0.10.2.dev20260603
libtpu: 0.0.44.dev20260713+nightly
codegen_flags: <defaults>
</compile_context>

<pallas_src>
import functools

import jax
import jax.numpy as jnp
from jax import lax
from jax.experimental import pallas as pl
from jax.experimental.pallas import tpu as pltpu
from jax.experimental.pallas import tpu_sc as plsc

_NC = 2
_NS = 16
_NW = _NC * _NS
_LANES = 16


def _vq_body(z_ref, cb_ref, q_ref, idx_ref):
    z_blk = z_ref[0]
    cb = cb_ref[...]

    z2 = jnp.sum(z_blk * z_blk, axis=0)
    cb2 = jnp.sum(cb * cb, axis=1)
    scores = jax.lax.dot_general(
        -2.0 * cb, z_blk,
        dimension_numbers=(((1,), (0,)), ((), ())),
        preferred_element_type=jnp.float32,
    )
    d = (z2[None, :] + scores) + cb2[:, None]

    idx = jnp.argmin(d, axis=0)
    idx_ref[0, 0] = idx
    p = (jax.lax.broadcasted_iota(jnp.int32, d.shape, 0)
         == idx[None, :]).astype(jnp.bfloat16)

    q_ref[0] = jax.lax.dot_general(
        cb.astype(jnp.bfloat16), p,
        dimension_numbers=(((0,), (0,)), ((), ())),
        preferred_element_type=jnp.float32,
    )


def _vq_pair(z, cb, tt):
    B, C, T = z.shape
    K = cb.shape[0]
    nt = T // tt
    q, idx = pl.pallas_call(
        _vq_body,
        grid=(B, nt),
        in_specs=[
            pl.BlockSpec((1, C, tt), lambda b, t: (b, 0, t)),
            pl.BlockSpec((K, C), lambda b, t: (0, 0)),
        ],
        out_specs=[
            pl.BlockSpec((1, C, tt), lambda b, t: (b, 0, t)),
            pl.BlockSpec((1, 1, tt), lambda b, t: (b, 0, t)),
        ],
        out_shape=[
            jax.ShapeDtypeStruct((B, C, T), jnp.float32),
            jax.ShapeDtypeStruct((B, 1, T), jnp.int32),
        ],
        compiler_params=pltpu.CompilerParams(
            dimension_semantics=("arbitrary", "arbitrary"),
        ),
    )(z, cb)
    return q, idx.reshape(B * T)


def _make_sc_hist(n0, n1, K):
    c0, c1 = n0 // _NW, n1 // _NW
    mesh = plsc.VectorSubcoreMesh(core_axis_name="c", subcore_axis_name="s")

    @functools.partial(
        pl.kernel, mesh=mesh,
        out_type=[
            jax.ShapeDtypeStruct((_NW, K), jnp.float32),
            jax.ShapeDtypeStruct((_NW, K), jnp.float32),
        ],
        scratch_types=[
            pltpu.VMEM((max(c0, c1),), jnp.int32),
            pltpu.VMEM((_LANES, K), jnp.float32),
            pltpu.VMEM((K,), jnp.float32),
        ],
        compiler_params=pltpu.CompilerParams(needs_layout_passes=False),
    )
    def hist_kernel(idx0_hbm, idx1_hbm, out0_hbm, out1_hbm,
                    idx_v, bins2d, binrow):
        wid = lax.axis_index("s") * _NC + lax.axis_index("c")
        lane_iota = lax.iota(jnp.int32, _LANES)
        ones16 = jnp.ones((_LANES,), jnp.float32)
        zeros16 = jnp.zeros((_LANES,), jnp.float32)
        ncol = K // _LANES

        def one_pair(idx_hbm, out_hbm, n):
            pltpu.sync_copy(idx_hbm.at[pl.ds(wid * n, n)],
                            idx_v.at[pl.ds(0, n)])

            def zero_row(r, _):
                def zero_col(c, _):
                    bins2d[r, pl.ds(c * _LANES, _LANES)] = zeros16
                    return 0
                return lax.fori_loop(0, ncol, zero_col, 0)
            lax.fori_loop(0, _LANES, zero_row, 0)

            def scat(i, _):
                v = idx_v[pl.ds(i * _LANES, _LANES)]
                plsc.addupdate_scatter(bins2d, [lane_iota, v], ones16)
                return 0
            lax.fori_loop(0, n // _LANES, scat, 0)

            def red_col(c, _):
                def red_row(r, acc):
                    return acc + bins2d[r, pl.ds(c * _LANES, _LANES)]
                acc = lax.fori_loop(0, _LANES, red_row, zeros16)
                binrow[pl.ds(c * _LANES, _LANES)] = acc
                return 0
            lax.fori_loop(0, ncol, red_col, 0)

            pltpu.sync_copy(binrow, out_hbm.at[wid])

        one_pair(idx0_hbm, out0_hbm, c0)
        one_pair(idx1_hbm, out1_hbm, c1)

    return hist_kernel


def _perp_body(c0_ref, c1_ref, perp_ref, *, n0, n1):
    pm0 = jnp.sum(c0_ref[...], axis=0) / float(n0)
    pm1 = jnp.sum(c1_ref[...], axis=0) / float(n1)
    p0 = jnp.exp(-jnp.sum(pm0 * jnp.log(pm0 + 1e-10)))
    p1 = jnp.exp(-jnp.sum(pm1 * jnp.log(pm1 + 1e-10)))
    perp_ref[...] = jnp.concatenate(
        [p0.reshape(1, 1), p1.reshape(1, 1)], axis=1)


def _perplexities(part0, part1, n0, n1):
    NW, K = part0.shape
    body = functools.partial(_perp_body, n0=n0, n1=n1)
    perp = pl.pallas_call(
        body,
        in_specs=[
            pl.BlockSpec((NW, K), lambda: (0, 0)),
            pl.BlockSpec((NW, K), lambda: (0, 0)),
        ],
        out_specs=pl.BlockSpec((1, 2), lambda: (0, 0)),
        out_shape=jax.ShapeDtypeStruct((1, 2), jnp.float32),
    )(part0, part1)
    return perp[0, 0], perp[0, 1]


def kernel(z0, z1, codebook0, codebook1):
    K = codebook0.shape[0]
    q0, idx0 = _vq_pair(z0, codebook0, tt=2048)
    q1, idx1 = _vq_pair(z1, codebook1, tt=2048)
    hist = _make_sc_hist(idx0.shape[0], idx1.shape[0], K)
    part0, part1 = hist(idx0, idx1)
    perp0, perp1 = _perplexities(part0, part1, idx0.shape[0], idx1.shape[0])
    return (q0, q1, q0, q1, perp0, perp1)

# --- scband reference (transcript-rebuilt; emitter-appended) ---
"""Pipeline reference for scband-unet-quantiser-ema-58428735095050 (READ-ONLY COPY).

The authoritative reference and input builder live on the scoring server;
editing this copy changes nothing except your own understanding.
"""

import jax, jax.numpy as jnp
import numpy as np


def _vq(z_bct, codebook):
    # z_bct: [B, C, T] -> z_btc: [B, T, C]
    z_btc = jnp.swapaxes(z_bct, -1, -2)
    d = (jnp.sum(z_btc ** 2, axis=-1, keepdims=True)
         - 2.0 * jnp.einsum('btc,kc->btk', z_btc, codebook)
         + jnp.sum(codebook ** 2, axis=-1))
    idx = jnp.argmin(d, axis=-1)                                   # [B, T]
    p_btk = jax.nn.one_hot(idx, codebook.shape[0], dtype=z_btc.dtype)  # [B, T, K]
    q_btc = jnp.take(codebook, idx, axis=0)                        # gather: [B, T, C]
    return q_btc, p_btk


def _perplexity(p_btk):
    pm = jnp.mean(p_btk.reshape(-1, p_btk.shape[-1]), axis=0)
    return jnp.exp(-jnp.sum(pm * jnp.log(pm + 1e-10)))


def setup_inputs(seed: int = 0) -> dict:
    key = jax.random.key(seed)
    k0, k1, k2, k3 = jax.random.split(key, 4)
    return {
        'z0': jax.random.normal(k0, (16, 32, 4096), dtype=jnp.float32),
        'z1': jax.random.normal(k1, (16, 32, 2048), dtype=jnp.float32),
        'codebook0': jax.random.normal(k2, (512, 32), dtype=jnp.float32),
        'codebook1': jax.random.normal(k3, (512, 32), dtype=jnp.float32),
    }


def reference(z0, z1, codebook0, codebook1):
    list_zq = []
    list_q = []
    list_perp = []
    for z_bct, cb in ((z0, codebook0), (z1, codebook1)):
        q_btc, p_btk = _vq(z_bct, cb)
        perp = _perplexity(p_btk)
        q_bct = jnp.swapaxes(q_btc, -1, -2)
        zq_bct = z_bct + jax.lax.stop_gradient(q_bct - z_bct)  # straight-through
        list_zq.append(zq_bct)
        list_q.append(q_bct)
        list_perp.append(perp)
    return (list_zq[0], list_zq[1], list_q[0], list_q[1], list_perp[0], list_perp[1])

if __name__ == "__main__":
    import jax
    _d = setup_inputs()
    print(jax.jit(kernel)(*tuple(_d.values())))

</pallas_src>

<mosaic_0001>
#map = affine_map<(d0, d1) -> (0)>
#map1 = affine_map<(d0, d1) -> (0, 0)>
module attributes {stable_mosaic.version = 14 : i64} {
  func.func @hist_kernel(%arg0: i32, %arg1: i32, %arg2: memref<65536xi32, #tpu.memory_space<hbm>>, %arg3: memref<32768xi32, #tpu.memory_space<hbm>>, %arg4: memref<32x512xf32, #tpu.memory_space<hbm>>, %arg5: memref<32x512xf32, #tpu.memory_space<hbm>>, %arg6: memref<2048xi32, #tpu.memory_space<vmem>>, %arg7: memref<16x512xf32, #tpu.memory_space<vmem>>, %arg8: memref<512xf32, #tpu.memory_space<vmem>>) attributes {dimension_semantics = [#tpu.dimension_semantics<core_parallel>, #tpu.dimension_semantics<subcore_parallel>], iteration_bounds = array<i64: 2, 16>, scalar_prefetch = 0 : i64, scratch_operands = 3 : i64, tpu.core_type = #tpu.core_type<sc_vector_subcore>, window_params = [{transform_indices = #map}, {transform_indices = #map}, {transform_indices = #map1}, {transform_indices = #map1}]} {
    %mul3A = arith.constant 2 : i32
    %mul3A_0 = arith.muli %arg1, %mul3A : i32
    %add3A = arith.addi %mul3A_0, %arg0 : i32
    %iota3A = tpu.iota {dimensions = array<i32: 0>} : vector<16xi32>
    %broadcast_in_dim3A = arith.constant 1.000000e+00 : f32
    %broadcast_in_dim3A_1 = vector.broadcast %broadcast_in_dim3A : f32 to vector<16xf32>
    %broadcast_in_dim3A_2 = arith.constant 0.000000e+00 : f32
    %broadcast_in_dim3A_3 = vector.broadcast %broadcast_in_dim3A_2 : f32 to vector<16xf32>
    %mul3A_4 = arith.constant 2048 : i32
    %mul3A_5 = arith.muli %add3A, %mul3A_4 : i32
    "tpu.region"() ({
      %run_scoped3A = tpu.sem_alloc : memref<!tpu.dma_semaphore, #tpu.memory_space<semaphore_mem>>
      %dma_start3A = arith.constant 0 : i32
      %dma_start3A_49 = tpu.memref_slice %arg6[%dma_start3A] : memref<2048xi32, #tpu.memory_space<vmem>> -> memref<2048xi32, #tpu.memory_space<vmem>>
      %dma_start3A_50 = tpu.memref_slice %arg2[%mul3A_5] : memref<65536xi32, #tpu.memory_space<hbm>> -> memref<2048xi32, #tpu.memory_space<hbm>>
      %dma_start3A_51 = arith.constant 0 : i32
      %dma_start3A_52 = tpu.memref_slice %arg6[%dma_start3A_51] : memref<2048xi32, #tpu.memory_space<vmem>> -> memref<2048xi32, #tpu.memory_space<vmem>>
      %dma_start3A_53 = tpu.memref_slice %arg2[%mul3A_5] : memref<65536xi32, #tpu.memory_space<hbm>> -> memref<2048xi32, #tpu.memory_space<hbm>>
      tpu.enqueue_dma source(%dma_start3A_53 : memref<2048xi32, #tpu.memory_space<hbm>>) target(%dma_start3A_52 : memref<2048xi32, #tpu.memory_space<vmem>>) target_semaphore(%run_scoped3A : memref<!tpu.dma_semaphore, #tpu.memory_space<semaphore_mem>>)
      %dma_wait3A = arith.constant 0 : i32
      %dma_wait3A_54 = tpu.memref_slice %arg6[%dma_wait3A] : memref<2048xi32, #tpu.memory_space<vmem>> -> memref<2048xi32, #tpu.memory_space<vmem>>
      %dma_wait3A_55 = tpu.memref_slice %arg2[%mul3A_5] : memref<65536xi32, #tpu.memory_space<hbm>> -> memref<2048xi32, #tpu.memory_space<hbm>>
      %dma_wait3A_56 = arith.constant 0 : i32
      %dma_wait3A_57 = tpu.memref_slice %arg6[%dma_wait3A_56] : memref<2048xi32, #tpu.memory_space<vmem>> -> memref<2048xi32, #tpu.memory_space<vmem>>
      %dma_wait3A_58 = tpu.memref_slice %arg2[%mul3A_5] : memref<65536xi32, #tpu.memory_space<hbm>> -> memref<2048xi32, #tpu.memory_space<hbm>>
      tpu.wait_dma2 semaphore(%run_scoped3A : memref<!tpu.dma_semaphore, #tpu.memory_space<semaphore_mem>>) src(%dma_wait3A_58 : memref<2048xi32, #tpu.memory_space<hbm>>) dst(%dma_wait3A_57 : memref<2048xi32, #tpu.memory_space<vmem>>)
      tpu.yield
    }) : () -> ()
    %scan3A = arith.constant 0 : i32
    %scan3A_6 = arith.constant 0 : i32
    %scan3A_7 = arith.constant 16 : i32
    %scan3A_8 = arith.addi %scan3A_6, %scan3A_7 : i32
    %scan3A_9 = arith.constant 1 : i32
    %scan3A_10 = scf.for %scan3A_49 = %scan3A_6 to %scan3A_8 step %scan3A_9 iter_args(%scan3A_50 = %scan3A) -> (i32)  : i32 {
      %scan3A_51 = arith.constant 0 : i32
      %scan3A_52 = arith.constant 0 : i32
      %scan3A_53 = arith.constant 32 : i32
      %scan3A_54 = arith.addi %scan3A_52, %scan3A_53 : i32
      %scan3A_55 = arith.constant 1 : i32
      %scan3A_56 = scf.for %scan3A_58 = %scan3A_52 to %scan3A_54 step %scan3A_55 iter_args(%scan3A_59 = %scan3A_51) -> (i32)  : i32 {
        %mul3A_60 = arith.constant 16 : i32
        %mul3A_61 = arith.muli %scan3A_58, %mul3A_60 : i32
        %swap3A = arith.index_cast %scan3A_49 : i32 to index
        %swap3A_62 = arith.index_cast %mul3A_61 : i32 to index
        %swap3A_63 = tpu.vector_load %arg7[%swap3A, %swap3A_62] {strides = array<i32>} : memref<16x512xf32, #tpu.memory_space<vmem>>, vector<16xf32>,
        tpu.vector_store %arg7[%swap3A, %swap3A_62], %broadcast_in_dim3A_3 {strides = array<i32>} : memref<16x512xf32, #tpu.memory_space<vmem>>, vector<16xf32>,
        %scan3A_64 = arith.constant 0 : i32
        scf.yield %scan3A_64 : i32
      }
      %scan3A_57 = arith.constant 32 : i32
      scf.yield %scan3A_56 : i32
    }
    %scan3A_11 = arith.constant 16 : i32
    %scan3A_12 = arith.constant 0 : i32
    %scan3A_13 = arith.constant 0 : i32
    %scan3A_14 = arith.constant 128 : i32
    %scan3A_15 = arith.addi %scan3A_13, %scan3A_14 : i32
    %scan3A_16 = arith.constant 1 : i32
    %scan3A_17 = scf.for %scan3A_49 = %scan3A_13 to %scan3A_15 step %scan3A_16 iter_args(%scan3A_50 = %scan3A_12) -> (i32)  : i32 {
      %mul3A_51 = arith.constant 16 : i32
      %mul3A_52 = arith.muli %scan3A_49, %mul3A_51 : i32
      %get3A = arith.index_cast %mul3A_52 : i32 to index
      %get3A_53 = tpu.vector_load %arg6[%get3A] {strides = array<i32>} : memref<2048xi32, #tpu.memory_space<vmem>>, vector<16xi32>,
      tpu.vector_store_idx %arg7[%iota3A, %get3A_53], %broadcast_in_dim3A_1 {add = true} : memref<16x512xf32, #tpu.memory_space<vmem>>[vector<16xi32>, vector<16xi32>], vector<16xf32>,
      %scan3A_54 = arith.constant 0 : i32
      scf.yield %scan3A_54 : i32
    }
    %scan3A_18 = arith.constant 128 : i32
    %scan3A_19 = arith.constant 0 : i32
    %scan3A_20 = arith.constant 0 : i32
    %scan3A_21 = arith.constant 32 : i32
    %scan3A_22 = arith.addi %scan3A_20, %scan3A_21 : i32
    %scan3A_23 = arith.constant 1 : i32
    %scan3A_24 = scf.for %scan3A_49 = %scan3A_20 to %scan3A_22 step %scan3A_23 iter_args(%scan3A_50 = %scan3A_19) -> (i32)  : i32 {
      %scan3A_51 = arith.constant 0 : i32
      %scan3A_52 = arith.constant 16 : i32
      %scan3A_53 = arith.addi %scan3A_51, %scan3A_52 : i32
      %scan3A_54 = arith.constant 1 : i32
      %scan3A_55 = scf.for %scan3A_61 = %scan3A_51 to %scan3A_53 step %scan3A_54 iter_args(%scan3A_62 = %broadcast_in_dim3A_3) -> (vector<16xf32>)  : i32 {
        %mul3A_63 = arith.constant 16 : i32
        %mul3A_64 = arith.muli %scan3A_49, %mul3A_63 : i32
        %get3A = arith.index_cast %scan3A_61 : i32 to index
        %get3A_65 = arith.index_cast %mul3A_64 : i32 to index
        %get3A_66 = tpu.vector_load %arg7[%get3A, %get3A_65] {strides = array<i32>} : memref<16x512xf32, #tpu.memory_space<vmem>>, vector<16xf32>,
        %add3A_67 = arith.addf %scan3A_62, %get3A_66 : vector<16xf32>
        scf.yield %add3A_67 : vector<16xf32>
      }
      %scan3A_56 = arith.constant 16 : i32
      %mul3A_57 = arith.constant 16 : i32
      %mul3A_58 = arith.muli %scan3A_49, %mul3A_57 : i32
      %swap3A = arith.index_cast %mul3A_58 : i32 to index
      %swap3A_59 = tpu.vector_load %arg8[%swap3A] {strides = array<i32>} : memref<512xf32, #tpu.memory_space<vmem>>, vector<16xf32>,
      tpu.vector_store %arg8[%swap3A], %scan3A_55 {strides = array<i32>} : memref<512xf32, #tpu.memory_space<vmem>>, vector<16xf32>,
      %scan3A_60 = arith.constant 0 : i32
      scf.yield %scan3A_60 : i32
    }
    %scan3A_25 = arith.constant 32 : i32
    "tpu.region"() ({
      %run_scoped3A = tpu.sem_alloc : memref<!tpu.dma_semaphore, #tpu.memory_space<semaphore_mem>>
      %dma_start3A = arith.constant 0 : i32
      %dma_start3A_49 = tpu.memref_slice %arg4[%add3A, %dma_start3A] : memref<32x512xf32, #tpu.memory_space<hbm>> -> memref<1x512xf32, #tpu.memory_space<hbm>>
      %dma_start3A_50 = tpu.memref_squeeze %dma_start3A_49 : memref<1x512xf32, #tpu.memory_space<hbm>> -> memref<512xf32, #tpu.memory_space<hbm>>
      %dma_start3A_51 = arith.constant 0 : i32
      %dma_start3A_52 = tpu.memref_slice %arg4[%add3A, %dma_start3A_51] : memref<32x512xf32, #tpu.memory_space<hbm>> -> memref<1x512xf32, #tpu.memory_space<hbm>>
      %dma_start3A_53 = tpu.memref_squeeze %dma_start3A_52 : memref<1x512xf32, #tpu.memory_space<hbm>> -> memref<512xf32, #tpu.memory_space<hbm>>
      tpu.enqueue_dma source(%arg8 : memref<512xf32, #tpu.memory_space<vmem>>) target(%dma_start3A_53 : memref<512xf32, #tpu.memory_space<hbm>>) target_semaphore(%run_scoped3A : memref<!tpu.dma_semaphore, #tpu.memory_space<semaphore_mem>>)
      %dma_wait3A = arith.constant 0 : i32
      %dma_wait3A_54 = tpu.memref_slice %arg4[%add3A, %dma_wait3A] : memref<32x512xf32, #tpu.memory_space<hbm>> -> memref<1x512xf32, #tpu.memory_space<hbm>>
      %dma_wait3A_55 = tpu.memref_squeeze %dma_wait3A_54 : memref<1x512xf32, #tpu.memory_space<hbm>> -> memref<512xf32, #tpu.memory_space<hbm>>
      %dma_wait3A_56 = arith.constant 0 : i32
      %dma_wait3A_57 = tpu.memref_slice %arg4[%add3A, %dma_wait3A_56] : memref<32x512xf32, #tpu.memory_space<hbm>> -> memref<1x512xf32, #tpu.memory_space<hbm>>
      %dma_wait3A_58 = tpu.memref_squeeze %dma_wait3A_57 : memref<1x512xf32, #tpu.memory_space<hbm>> -> memref<512xf32, #tpu.memory_space<hbm>>
      tpu.wait_dma2 semaphore(%run_scoped3A : memref<!tpu.dma_semaphore, #tpu.memory_space<semaphore_mem>>) src(%arg8 : memref<512xf32, #tpu.memory_space<vmem>>) dst(%dma_wait3A_58 : memref<512xf32, #tpu.memory_space<hbm>>)
      tpu.yield
    }) : () -> ()
    %mul3A_26 = arith.constant 1024 : i32
    %mul3A_27 = arith.muli %add3A, %mul3A_26 : i32
    "tpu.region"() ({
      %run_scoped3A = tpu.sem_alloc : memref<!tpu.dma_semaphore, #tpu.memory_space<semaphore_mem>>
      %dma_start3A = arith.constant 0 : i32
      %dma_start3A_49 = tpu.memref_slice %arg6[%dma_start3A] : memref<2048xi32, #tpu.memory_space<vmem>> -> memref<1024xi32, #tpu.memory_space<vmem>>
      %dma_start3A_50 = tpu.memref_slice %arg3[%mul3A_27] : memref<32768xi32, #tpu.memory_space<hbm>> -> memref<1024xi32, #tpu.memory_space<hbm>>
      %dma_start3A_51 = arith.constant 0 : i32
      %dma_start3A_52 = tpu.memref_slice %arg6[%dma_start3A_51] : memref<2048xi32, #tpu.memory_space<vmem>> -> memref<1024xi32, #tpu.memory_space<vmem>>
      %dma_start3A_53 = tpu.memref_slice %arg3[%mul3A_27] : memref<32768xi32, #tpu.memory_space<hbm>> -> memref<1024xi32, #tpu.memory_space<hbm>>
      tpu.enqueue_dma source(%dma_start3A_53 : memref<1024xi32, #tpu.memory_space<hbm>>) target(%dma_start3A_52 : memref<1024xi32, #tpu.memory_space<vmem>>) target_semaphore(%run_scoped3A : memref<!tpu.dma_semaphore, #tpu.memory_space<semaphore_mem>>)
      %dma_wait3A = arith.constant 0 : i32
      %dma_wait3A_54 = tpu.memref_slice %arg6[%dma_wait3A] : memref<2048xi32, #tpu.memory_space<vmem>> -> memref<1024xi32, #tpu.memory_space<vmem>>
      %dma_wait3A_55 = tpu.memref_slice %arg3[%mul3A_27] : memref<32768xi32, #tpu.memory_space<hbm>> -> memref<1024xi32, #tpu.memory_space<hbm>>
      %dma_wait3A_56 = arith.constant 0 : i32
      %dma_wait3A_57 = tpu.memref_slice %arg6[%dma_wait3A_56] : memref<2048xi32, #tpu.memory_space<vmem>> -> memref<1024xi32, #tpu.memory_space<vmem>>
      %dma_wait3A_58 = tpu.memref_slice %arg3[%mul3A_27] : memref<32768xi32, #tpu.memory_space<hbm>> -> memref<1024xi32, #tpu.memory_space<hbm>>
      tpu.wait_dma2 semaphore(%run_scoped3A : memref<!tpu.dma_semaphore, #tpu.memory_space<semaphore_mem>>) src(%dma_wait3A_58 : memref<1024xi32, #tpu.memory_space<hbm>>) dst(%dma_wait3A_57 : memref<1024xi32, #tpu.memory_space<vmem>>)
      tpu.yield
    }) : () -> ()
    %scan3A_28 = arith.constant 0 : i32
    %scan3A_29 = arith.constant 0 : i32
    %scan3A_30 = arith.constant 16 : i32
    %scan3A_31 = arith.addi %scan3A_29, %scan3A_30 : i32
    %scan3A_32 = arith.constant 1 : i32
    %scan3A_33 = scf.for %scan3A_49 = %scan3A_29 to %scan3A_31 step %scan3A_32 iter_args(%scan3A_50 = %scan3A_28) -> (i32)  : i32 {
      %scan3A_51 = arith.constant 0 : i32
      %scan3A_52 = arith.constant 0 : i32
      %scan3A_53 = arith.constant 32 : i32
      %scan3A_54 = arith.addi %scan3A_52, %scan3A_53 : i32
      %scan3A_55 = arith.constant 1 : i32
      %scan3A_56 = scf.for %scan3A_58 = %scan3A_52 to %scan3A_54 step %scan3A_55 iter_args(%scan3A_59 = %scan3A_51) -> (i32)  : i32 {
        %mul3A_60 = arith.constant 16 : i32
        %mul3A_61 = arith.muli %scan3A_58, %mul3A_60 : i32
        %swap3A = arith.index_cast %scan3A_49 : i32 to index
        %swap3A_62 = arith.index_cast %mul3A_61 : i32 to index
        %swap3A_63 = tpu.vector_load %arg7[%swap3A, %swap3A_62] {strides = array<i32>} : memref<16x512xf32, #tpu.memory_space<vmem>>, vector<16xf32>,
        tpu.vector_store %arg7[%swap3A, %swap3A_62], %broadcast_in_dim3A_3 {strides = array<i32>} : memref<16x512xf32, #tpu.memory_space<vmem>>, vector<16xf32>,
        %scan3A_64 = arith.constant 0 : i32
        scf.yield %scan3A_64 : i32
      }
      %scan3A_57 = arith.constant 32 : i32
      scf.yield %scan3A_56 : i32
    }
    %scan3A_34 = arith.constant 16 : i32
    %scan3A_35 = arith.constant 0 : i32
    %scan3A_36 = arith.constant 0 : i32
    %scan3A_37 = arith.constant 64 : i32
    %scan3A_38 = arith.addi %scan3A_36, %scan3A_37 : i32
    %scan3A_39 = arith.constant 1 : i32
    %scan3A_40 = scf.for %scan3A_49 = %scan3A_36 to %scan3A_38 step %scan3A_39 iter_args(%scan3A_50 = %scan3A_35) -> (i32)  : i32 {
      %mul3A_51 = arith.constant 16 : i32
      %mul3A_52 = arith.muli %scan3A_49, %mul3A_51 : i32
      %get3A = arith.index_cast %mul3A_52 : i32 to index
      %get3A_53 = tpu.vector_load %arg6[%get3A] {strides = array<i32>} : memref<2048xi32, #tpu.memory_space<vmem>>, vector<16xi32>,
      tpu.vector_store_idx %arg7[%iota3A, %get3A_53], %broadcast_in_dim3A_1 {add = true} : memref<16x512xf32, #tpu.memory_space<vmem>>[vector<16xi32>, vector<16xi32>], vector<16xf32>,
      %scan3A_54 = arith.constant 0 : i32
      scf.yield %scan3A_54 : i32
    }
    %scan3A_41 = arith.constant 64 : i32
    %scan3A_42 = arith.constant 0 : i32
    %scan3A_43 = arith.constant 0 : i32
    %scan3A_44 = arith.constant 32 : i32
    %scan3A_45 = arith.addi %scan3A_43, %scan3A_44 : i32
    %scan3A_46 = arith.constant 1 : i32
    %scan3A_47 = scf.for %scan3A_49 = %scan3A_43 to %scan3A_45 step %scan3A_46 iter_args(%scan3A_50 = %scan3A_42) -> (i32)  : i32 {
      %scan3A_51 = arith.constant 0 : i32
      %scan3A_52 = arith.constant 16 : i32
      %scan3A_53 = arith.addi %scan3A_51, %scan3A_52 : i32
      %scan3A_54 = arith.constant 1 : i32
      %scan3A_55 = scf.for %scan3A_61 = %scan3A_51 to %scan3A_53 step %scan3A_54 iter_args(%scan3A_62 = %broadcast_in_dim3A_3) -> (vector<16xf32>)  : i32 {
        %mul3A_63 = arith.constant 16 : i32
        %mul3A_64 = arith.muli %scan3A_49, %mul3A_63 : i32
        %get3A = arith.index_cast %scan3A_61 : i32 to index
        %get3A_65 = arith.index_cast %mul3A_64 : i32 to index
        %get3A_66 = tpu.vector_load %arg7[%get3A, %get3A_65] {strides = array<i32>} : memref<16x512xf32, #tpu.memory_space<vmem>>, vector<16xf32>,
        %add3A_67 = arith.addf %scan3A_62, %get3A_66 : vector<16xf32>
        scf.yield %add3A_67 : vector<16xf32>
      }
      %scan3A_56 = arith.constant 16 : i32
      %mul3A_57 = arith.constant 16 : i32
      %mul3A_58 = arith.muli %scan3A_49, %mul3A_57 : i32
      %swap3A = arith.index_cast %mul3A_58 : i32 to index
      %swap3A_59 = tpu.vector_load %arg8[%swap3A] {strides = array<i32>} : memref<512xf32, #tpu.memory_space<vmem>>, vector<16xf32>,
      tpu.vector_store %arg8[%swap3A], %scan3A_55 {strides = array<i32>} : memref<512xf32, #tpu.memory_space<vmem>>, vector<16xf32>,
      %scan3A_60 = arith.constant 0 : i32
      scf.yield %scan3A_60 : i32
    }
    %scan3A_48 = arith.constant 32 : i32
    "tpu.region"() ({
      %run_scoped3A = tpu.sem_alloc : memref<!tpu.dma_semaphore, #tpu.memory_space<semaphore_mem>>
      %dma_start3A = arith.constant 0 : i32
      %dma_start3A_49 = tpu.memref_slice %arg5[%add3A, %dma_start3A] : memref<32x512xf32, #tpu.memory_space<hbm>> -> memref<1x512xf32, #tpu.memory_space<hbm>>
      %dma_start3A_50 = tpu.memref_squeeze %dma_start3A_49 : memref<1x512xf32, #tpu.memory_space<hbm>> -> memref<512xf32, #tpu.memory_space<hbm>>
      %dma_start3A_51 = arith.constant 0 : i32
      %dma_start3A_52 = tpu.memref_slice %arg5[%add3A, %dma_start3A_51] : memref<32x512xf32, #tpu.memory_space<hbm>> -> memref<1x512xf32, #tpu.memory_space<hbm>>
      %dma_start3A_53 = tpu.memref_squeeze %dma_start3A_52 : memref<1x512xf32, #tpu.memory_space<hbm>> -> memref<512xf32, #tpu.memory_space<hbm>>
      tpu.enqueue_dma source(%arg8 : memref<512xf32, #tpu.memory_space<vmem>>) target(%dma_start3A_53 : memref<512xf32, #tpu.memory_space<hbm>>) target_semaphore(%run_scoped3A : memref<!tpu.dma_semaphore, #tpu.memory_space<semaphore_mem>>)
      %dma_wait3A = arith.constant 0 : i32
      %dma_wait3A_54 = tpu.memref_slice %arg5[%add3A, %dma_wait3A] : memref<32x512xf32, #tpu.memory_space<hbm>> -> memref<1x512xf32, #tpu.memory_space<hbm>>
      %dma_wait3A_55 = tpu.memref_squeeze %dma_wait3A_54 : memref<1x512xf32, #tpu.memory_space<hbm>> -> memref<512xf32, #tpu.memory_space<hbm>>
      %dma_wait3A_56 = arith.constant 0 : i32
      %dma_wait3A_57 = tpu.memref_slice %arg5[%add3A, %dma_wait3A_56] : memref<32x512xf32, #tpu.memory_space<hbm>> -> memref<1x512xf32, #tpu.memory_space<hbm>>
      %dma_wait3A_58 = tpu.memref_squeeze %dma_wait3A_57 : memref<1x512xf32, #tpu.memory_space<hbm>> -> memref<512xf32, #tpu.memory_space<hbm>>
      tpu.wait_dma2 semaphore(%run_scoped3A : memref<!tpu.dma_semaphore, #tpu.memory_space<semaphore_mem>>) src(%arg8 : memref<512xf32, #tpu.memory_space<vmem>>) dst(%dma_wait3A_58 : memref<512xf32, #tpu.memory_space<hbm>>)
      tpu.yield
    }) : () -> ()
    return
  }
}

module attributes {stable_mosaic.version = 14 : i64} {
  func.func @_vq_body(%arg0: i32, %arg1: i32, %arg2: memref<1x32x2048xf32, #tpu.memory_space<vmem>>, %arg3: memref<512x32xf32, #tpu.memory_space<vmem>>, %arg4: memref<1x32x2048xf32, #tpu.memory_space<vmem>>, %arg5: memref<1x1x2048xi32, #tpu.memory_space<vmem>>) attributes {dimension_semantics = [#tpu.dimension_semantics<arbitrary>, #tpu.dimension_semantics<arbitrary>], iteration_bounds = array<i64: 16, 2>, scalar_prefetch = 0 : i64, scratch_operands = 0 : i64, tpu.core_type = #tpu.core_type<tc>, window_params = [{transform_indices = @transform_0, window_bounds = array<i64: 1, 32, 2048>}, {pipeline_mode = #tpu.pipeline_mode<synchronous>, transform_indices = @transform_1, window_bounds = array<i64: 512, 32>}, {transform_indices = @transform_2, window_bounds = array<i64: 1, 32, 2048>}, {transform_indices = @transform_3, window_bounds = array<i64: 1, 1, 2048>}]} {
    %get3A = arith.constant 0 : index
    %get3A_0 = arith.constant 0 : index
    %get3A_1 = arith.constant 0 : index
    %get3A_2 = vector.load %arg2[%get3A, %get3A_0, %get3A_1] : memref<1x32x2048xf32, #tpu.memory_space<vmem>>, vector<1x32x2048xf32>
    %get3A_3 = vector.shape_cast %get3A_2 : vector<1x32x2048xf32> to vector<32x2048xf32>
    %get3A_4 = arith.constant 0 : index
    %get3A_5 = arith.constant 0 : index
    %get3A_6 = vector.load %arg3[%get3A_4, %get3A_5] : memref<512x32xf32, #tpu.memory_space<vmem>>, vector<512x32xf32>
    %mul3A = arith.mulf %get3A_3, %get3A_3 : vector<32x2048xf32>
    %reduce_sum3A = arith.constant dense<0.000000e+00> : vector<2048xf32>
    %reduce_sum3A_7 = vector.multi_reduction <add>, %mul3A, %reduce_sum3A [0] : vector<32x2048xf32> to vector<2048xf32>
    %mul3A_8 = arith.mulf %get3A_6, %get3A_6 : vector<512x32xf32>
    %reduce_sum3A_9 = arith.constant dense<0.000000e+00> : vector<512xf32>
    %reduce_sum3A_10 = vector.multi_reduction <add>, %mul3A_8, %reduce_sum3A_9 [1] : vector<512x32xf32> to vector<512xf32>
    %mul3A_11 = arith.constant -2.000000e+00 : f32
    %mul3A_12 = vector.broadcast %mul3A_11 : f32 to vector<512x32xf32>
    %mul3A_13 = arith.mulf %mul3A_12, %get3A_6 : vector<512x32xf32>
    %dot_general3A = arith.constant dense<0.000000e+00> : vector<512x2048xf32>
    %dot_general3A_14 = tpu.matmul %mul3A_13, %get3A_3, %dot_general3A {dimension_numbers = #tpu.dot_dimension_numbers<[1], [0], [0], [1], [0, 0, 1, 1], [], []>, transpose_lhs_hint = false} : vector<512x32xf32>, vector<32x2048xf32>, vector<512x2048xf32> -> vector<512x2048xf32>
    %broadcast_in_dim3A = vector.shape_cast %reduce_sum3A_7 : vector<2048xf32> to vector<1x2048xf32>
    %add3A = vector.broadcast %broadcast_in_dim3A : vector<1x2048xf32> to vector<512x2048xf32>
    %add3A_15 = arith.addf %add3A, %dot_general3A_14 : vector<512x2048xf32>
    %broadcast_in_dim3A_16 = vector.shape_cast %reduce_sum3A_10 : vector<512xf32> to vector<512x1xf32>
    %add3A_17 = vector.broadcast %broadcast_in_dim3A_16 : vector<512x1xf32> to vector<512x2048xf32>
    %add3A_18 = arith.addf %add3A_15, %add3A_17 : vector<512x2048xf32>
    %argmin3A = tpu.reduce_index %add3A_18 {axis = 0 : i32, kind = #tpu.reduction_kind<arg_min>} : vector<512x2048xf32> -> vector<2048xi32>
    %swap3A = arith.constant 0 : index
    %swap3A_19 = arith.constant 0 : index
    %swap3A_20 = arith.constant 0 : index
    %swap3A_21 = vector.load %arg5[%swap3A, %swap3A_19, %swap3A_20] : memref<1x1x2048xi32, #tpu.memory_space<vmem>>, vector<1x1x2048xi32>
    %swap3A_22 = vector.shape_cast %swap3A_21 : vector<1x1x2048xi32> to vector<2048xi32>
    %swap3A_23 = vector.shape_cast %argmin3A : vector<2048xi32> to vector<1x1x2048xi32>
    tpu.vector_store %arg5[%swap3A, %swap3A_19, %swap3A_20], %swap3A_23 {strides = array<i32>} : memref<1x1x2048xi32, #tpu.memory_space<vmem>>, vector<1x1x2048xi32>,
    %iota3A = tpu.iota {dimensions = array<i32: 0>} : vector<512x2048xi32>
    %broadcast_in_dim3A_24 = vector.shape_cast %argmin3A : vector<2048xi32> to vector<1x2048xi32>
    %eq3A = vector.broadcast %broadcast_in_dim3A_24 : vector<1x2048xi32> to vector<512x2048xi32>
    %eq3A_25 = arith.cmpi eq, %iota3A, %eq3A : vector<512x2048xi32>
    %convert_element_type3A = arith.extui %eq3A_25 : vector<512x2048xi1> to vector<512x2048xi32>
    %convert_element_type3A_26 = arith.sitofp %convert_element_type3A : vector<512x2048xi32> to vector<512x2048xf32>
    %convert_element_type3A_27 = arith.truncf %convert_element_type3A_26 : vector<512x2048xf32> to vector<512x2048xbf16>
    %convert_element_type3A_28 = arith.truncf %get3A_6 : vector<512x32xf32> to vector<512x32xbf16>
    %dot_general3A_29 = arith.constant dense<0.000000e+00> : vector<32x2048xf32>
    %dot_general3A_30 = tpu.matmul %convert_element_type3A_28, %convert_element_type3A_27, %dot_general3A_29 {dimension_numbers = #tpu.dot_dimension_numbers<[0], [0], [1], [1], [0, 1, 1, 1], [], []>, transpose_lhs_hint = false} : vector<512x32xbf16>, vector<512x2048xbf16>, vector<32x2048xf32> -> vector<32x2048xf32>
    %swap3A_31 = arith.constant 0 : index
    %swap3A_32 = arith.constant 0 : index
    %swap3A_33 = arith.constant 0 : index
    %swap3A_34 = vector.load %arg4[%swap3A_31, %swap3A_32, %swap3A_33] : memref<1x32x2048xf32, #tpu.memory_space<vmem>>, vector<1x32x2048xf32>
    %swap3A_35 = vector.shape_cast %swap3A_34 : vector<1x32x2048xf32> to vector<32x2048xf32>
    %swap3A_36 = vector.shape_cast %dot_general3A_30 : vector<32x2048xf32> to vector<1x32x2048xf32>
    tpu.vector_store %arg4[%swap3A_31, %swap3A_32, %swap3A_33], %swap3A_36 {strides = array<i32>} : memref<1x32x2048xf32, #tpu.memory_space<vmem>>, vector<1x32x2048xf32>,
    return
  }
  func.func @transform_0(%arg0: i32, %arg1: i32) -> (i32, i32, i32) {
    %c0_i32 = arith.constant 0 : i32
    %c0_i32_0 = arith.constant 0 : i32
    return %arg0, %c0_i32, %arg1 : i32, i32, i32
  }
  func.func @transform_1(%arg0: i32, %arg1: i32) -> (i32, i32) {
    %c0_i32 = arith.constant 0 : i32
    %c0_i32_0 = arith.constant 0 : i32
    %c0_i32_1 = arith.constant 0 : i32
    return %c0_i32, %c0_i32_0 : i32, i32
  }
  func.func @transform_2(%arg0: i32, %arg1: i32) -> (i32, i32, i32) {
    %c0_i32 = arith.constant 0 : i32
    %c0_i32_0 = arith.constant 0 : i32
    return %arg0, %c0_i32, %arg1 : i32, i32, i32
  }
  func.func @transform_3(%arg0: i32, %arg1: i32) -> (i32, i32, i32) {
    %c0_i32 = arith.constant 0 : i32
    %c0_i32_0 = arith.constant 0 : i32
    return %arg0, %c0_i32, %arg1 : i32, i32, i32
  }
}

module attributes {stable_mosaic.version = 14 : i64} {
  func.func @_vq_body(%arg0: i32, %arg1: i32, %arg2: memref<1x32x2048xf32, #tpu.memory_space<vmem>>, %arg3: memref<512x32xf32, #tpu.memory_space<vmem>>, %arg4: memref<1x32x2048xf32, #tpu.memory_space<vmem>>, %arg5: memref<1x1x2048xi32, #tpu.memory_space<vmem>>) attributes {dimension_semantics = [#tpu.dimension_semantics<arbitrary>, #tpu.dimension_semantics<arbitrary>], iteration_bounds = array<i64: 16, 1>, scalar_prefetch = 0 : i64, scratch_operands = 0 : i64, tpu.core_type = #tpu.core_type<tc>, window_params = [{transform_indices = @transform_0, window_bounds = array<i64: 1, 32, 2048>}, {pipeline_mode = #tpu.pipeline_mode<synchronous>, transform_indices = @transform_1, window_bounds = array<i64: 512, 32>}, {transform_indices = @transform_2, window_bounds = array<i64: 1, 32, 2048>}, {transform_indices = @transform_3, window_bounds = array<i64: 1, 1, 2048>}]} {
    %get3A = arith.constant 0 : index
    %get3A_0 = arith.constant 0 : index
    %get3A_1 = arith.constant 0 : index
    %get3A_2 = vector.load %arg2[%get3A, %get3A_0, %get3A_1] : memref<1x32x2048xf32, #tpu.memory_space<vmem>>, vector<1x32x2048xf32>
    %get3A_3 = vector.shape_cast %get3A_2 : vector<1x32x2048xf32> to vector<32x2048xf32>
    %get3A_4 = arith.constant 0 : index
    %get3A_5 = arith.constant 0 : index
    %get3A_6 = vector.load %arg3[%get3A_4, %get3A_5] : memref<512x32xf32, #tpu.memory_space<vmem>>, vector<512x32xf32>
    %mul3A = arith.mulf %get3A_3, %get3A_3 : vector<32x2048xf32>
    %reduce_sum3A = arith.constant dense<0.000000e+00> : vector<2048xf32>
    %reduce_sum3A_7 = vector.multi_reduction <add>, %mul3A, %reduce_sum3A [0] : vector<32x2048xf32> to vector<2048xf32>
    %mul3A_8 = arith.mulf %get3A_6, %get3A_6 : vector<512x32xf32>
    %reduce_sum3A_9 = arith.constant dense<0.000000e+00> : vector<512xf32>
    %reduce_sum3A_10 = vector.multi_reduction <add>, %mul3A_8, %reduce_sum3A_9 [1] : vector<512x32xf32> to vector<512xf32>
    %mul3A_11 = arith.constant -2.000000e+00 : f32
    %mul3A_12 = vector.broadcast %mul3A_11 : f32 to vector<512x32xf32>
    %mul3A_13 = arith.mulf %mul3A_12, %get3A_6 : vector<512x32xf32>
    %dot_general3A = arith.constant dense<0.000000e+00> : vector<512x2048xf32>
    %dot_general3A_14 = tpu.matmul %mul3A_13, %get3A_3, %dot_general3A {dimension_numbers = #tpu.dot_dimension_numbers<[1], [0], [0], [1], [0, 0, 1, 1], [], []>, transpose_lhs_hint = false} : vector<512x32xf32>, vector<32x2048xf32>, vector<512x2048xf32> -> vector<512x2048xf32>
    %broadcast_in_dim3A = vector.shape_cast %reduce_sum3A_7 : vector<2048xf32> to vector<1x2048xf32>
    %add3A = vector.broadcast %broadcast_in_dim3A : vector<1x2048xf32> to vector<512x2048xf32>
    %add3A_15 = arith.addf %add3A, %dot_general3A_14 : vector<512x2048xf32>
    %broadcast_in_dim3A_16 = vector.shape_cast %reduce_sum3A_10 : vector<512xf32> to vector<512x1xf32>
    %add3A_17 = vector.broadcast %broadcast_in_dim3A_16 : vector<512x1xf32> to vector<512x2048xf32>
    %add3A_18 = arith.addf %add3A_15, %add3A_17 : vector<512x2048xf32>
    %argmin3A = tpu.reduce_index %add3A_18 {axis = 0 : i32, kind = #tpu.reduction_kind<arg_min>} : vector<512x2048xf32> -> vector<2048xi32>
    %swap3A = arith.constant 0 : index
    %swap3A_19 = arith.constant 0 : index
    %swap3A_20 = arith.constant 0 : index
    %swap3A_21 = vector.load %arg5[%swap3A, %swap3A_19, %swap3A_20] : memref<1x1x2048xi32, #tpu.memory_space<vmem>>, vector<1x1x2048xi32>
    %swap3A_22 = vector.shape_cast %swap3A_21 : vector<1x1x2048xi32> to vector<2048xi32>
    %swap3A_23 = vector.shape_cast %argmin3A : vector<2048xi32> to vector<1x1x2048xi32>
    tpu.vector_store %arg5[%swap3A, %swap3A_19, %swap3A_20], %swap3A_23 {strides = array<i32>} : memref<1x1x2048xi32, #tpu.memory_space<vmem>>, vector<1x1x2048xi32>,
    %iota3A = tpu.iota {dimensions = array<i32: 0>} : vector<512x2048xi32>
    %broadcast_in_dim3A_24 = vector.shape_cast %argmin3A : vector<2048xi32> to vector<1x2048xi32>
    %eq3A = vector.broadcast %broadcast_in_dim3A_24 : vector<1x2048xi32> to vector<512x2048xi32>
    %eq3A_25 = arith.cmpi eq, %iota3A, %eq3A : vector<512x2048xi32>
    %convert_element_type3A = arith.extui %eq3A_25 : vector<512x2048xi1> to vector<512x2048xi32>
    %convert_element_type3A_26 = arith.sitofp %convert_element_type3A : vector<512x2048xi32> to vector<512x2048xf32>
    %convert_element_type3A_27 = arith.truncf %convert_element_type3A_26 : vector<512x2048xf32> to vector<512x2048xbf16>
    %convert_element_type3A_28 = arith.truncf %get3A_6 : vector<512x32xf32> to vector<512x32xbf16>
    %dot_general3A_29 = arith.constant dense<0.000000e+00> : vector<32x2048xf32>
    %dot_general3A_30 = tpu.matmul %convert_element_type3A_28, %convert_element_type3A_27, %dot_general3A_29 {dimension_numbers = #tpu.dot_dimension_numbers<[0], [0], [1], [1], [0, 1, 1, 1], [], []>, transpose_lhs_hint = false} : vector<512x32xbf16>, vector<512x2048xbf16>, vector<32x2048xf32> -> vector<32x2048xf32>
    %swap3A_31 = arith.constant 0 : index
    %swap3A_32 = arith.constant 0 : index
    %swap3A_33 = arith.constant 0 : index
    %swap3A_34 = vector.load %arg4[%swap3A_31, %swap3A_32, %swap3A_33] : memref<1x32x2048xf32, #tpu.memory_space<vmem>>, vector<1x32x2048xf32>
    %swap3A_35 = vector.shape_cast %swap3A_34 : vector<1x32x2048xf32> to vector<32x2048xf32>
    %swap3A_36 = vector.shape_cast %dot_general3A_30 : vector<32x2048xf32> to vector<1x32x2048xf32>
    tpu.vector_store %arg4[%swap3A_31, %swap3A_32, %swap3A_33], %swap3A_36 {strides = array<i32>} : memref<1x32x2048xf32, #tpu.memory_space<vmem>>, vector<1x32x2048xf32>,
    return
  }
  func.func @transform_0(%arg0: i32, %arg1: i32) -> (i32, i32, i32) {
    %c0_i32 = arith.constant 0 : i32
    %c0_i32_0 = arith.constant 0 : i32
    return %arg0, %c0_i32, %arg1 : i32, i32, i32
  }
  func.func @transform_1(%arg0: i32, %arg1: i32) -> (i32, i32) {
    %c0_i32 = arith.constant 0 : i32
    %c0_i32_0 = arith.constant 0 : i32
    %c0_i32_1 = arith.constant 0 : i32
    return %c0_i32, %c0_i32_0 : i32, i32
  }
  func.func @transform_2(%arg0: i32, %arg1: i32) -> (i32, i32, i32) {
    %c0_i32 = arith.constant 0 : i32
    %c0_i32_0 = arith.constant 0 : i32
    return %arg0, %c0_i32, %arg1 : i32, i32, i32
  }
  func.func @transform_3(%arg0: i32, %arg1: i32) -> (i32, i32, i32) {
    %c0_i32 = arith.constant 0 : i32
    %c0_i32_0 = arith.constant 0 : i32
    return %arg0, %c0_i32, %arg1 : i32, i32, i32
  }
}

module attributes {stable_mosaic.version = 14 : i64} {
  func.func @_perp_body(%arg0: memref<32x512xf32, #tpu.memory_space<vmem>>, %arg1: memref<32x512xf32, #tpu.memory_space<vmem>>, %arg2: memref<1x2xf32, #tpu.memory_space<vmem>>) attributes {dimension_semantics = [], scalar_prefetch = 0 : i64, scratch_operands = 0 : i64, tpu.core_type = #tpu.core_type<tc>} {
    %get3A = arith.constant 0 : index
    %get3A_0 = arith.constant 0 : index
    %get3A_1 = vector.load %arg0[%get3A, %get3A_0] : memref<32x512xf32, #tpu.memory_space<vmem>>, vector<32x512xf32>
    %reduce_sum3A = arith.constant dense<0.000000e+00> : vector<512xf32>
    %reduce_sum3A_2 = vector.multi_reduction <add>, %get3A_1, %reduce_sum3A [0] : vector<32x512xf32> to vector<512xf32>
    %div3A = arith.constant 6.553600e+04 : f32
    %div3A_3 = vector.broadcast %div3A : f32 to vector<512xf32>
    %div3A_4 = arith.divf %reduce_sum3A_2, %div3A_3 : vector<512xf32>
    %get3A_5 = arith.constant 0 : index
    %get3A_6 = arith.constant 0 : index
    %get3A_7 = vector.load %arg1[%get3A_5, %get3A_6] : memref<32x512xf32, #tpu.memory_space<vmem>>, vector<32x512xf32>
    %reduce_sum3A_8 = arith.constant dense<0.000000e+00> : vector<512xf32>
    %reduce_sum3A_9 = vector.multi_reduction <add>, %get3A_7, %reduce_sum3A_8 [0] : vector<32x512xf32> to vector<512xf32>
    %div3A_10 = arith.constant 3.276800e+04 : f32
    %div3A_11 = vector.broadcast %div3A_10 : f32 to vector<512xf32>
    %div3A_12 = arith.divf %reduce_sum3A_9, %div3A_11 : vector<512xf32>
    %add3A = arith.constant 1.000000e-10 : f32
    %add3A_13 = vector.broadcast %add3A : f32 to vector<512xf32>
    %add3A_14 = arith.addf %div3A_4, %add3A_13 : vector<512xf32>
    %log3A = math.log %add3A_14 : vector<512xf32>
    %mul3A = arith.mulf %div3A_4, %log3A : vector<512xf32>
    %reduce_sum3A_15 = vector.shape_cast %mul3A : vector<512xf32> to vector<1x512xf32>
    %reduce_sum3A_16 = arith.constant dense<0.000000e+00> : vector<1xf32>
    %reduce_sum3A_17 = vector.multi_reduction <add>, %reduce_sum3A_15, %reduce_sum3A_16 [1] : vector<1x512xf32> to vector<1xf32>
    %reduce_sum3A_18 = vector.shape_cast %reduce_sum3A_17 : vector<1xf32> to vector<1x1xf32>
    %reduce_sum3A_19 = vector.extract %reduce_sum3A_18[0, 0] : f32 from vector<1x1xf32>
    %neg3A = arith.constant 0.000000e+00 : f32
    %neg3A_20 = arith.subf %neg3A, %reduce_sum3A_19 : f32
    %exp3A = math.exp %neg3A_20 : f32
    %add3A_21 = arith.constant 1.000000e-10 : f32
    %add3A_22 = vector.broadcast %add3A_21 : f32 to vector<512xf32>
    %add3A_23 = arith.addf %div3A_12, %add3A_22 : vector<512xf32>
    %log3A_24 = math.log %add3A_23 : vector<512xf32>
    %mul3A_25 = arith.mulf %div3A_12, %log3A_24 : vector<512xf32>
    %reduce_sum3A_26 = vector.shape_cast %mul3A_25 : vector<512xf32> to vector<1x512xf32>
    %reduce_sum3A_27 = arith.constant dense<0.000000e+00> : vector<1xf32>
    %reduce_sum3A_28 = vector.multi_reduction <add>, %reduce_sum3A_26, %reduce_sum3A_27 [1] : vector<1x512xf32> to vector<1xf32>
    %reduce_sum3A_29 = vector.shape_cast %reduce_sum3A_28 : vector<1xf32> to vector<1x1xf32>
    %reduce_sum3A_30 = vector.extract %reduce_sum3A_29[0, 0] : f32 from vector<1x1xf32>
    %neg3A_31 = arith.constant 0.000000e+00 : f32
    %neg3A_32 = arith.subf %neg3A_31, %reduce_sum3A_30 : f32
    %exp3A_33 = math.exp %neg3A_32 : f32
    %reshape3A = vector.broadcast %exp3A : f32 to vector<1x1xf32>
    %reshape3A_34 = vector.broadcast %exp3A_33 : f32 to vector<1x1xf32>
    %concatenate3A = tpu.concatenate %reshape3A, %reshape3A_34 in 1 : vector<1x1xf32>, vector<1x1xf32> -> vector<1x2xf32>
    %swap3A = arith.constant 0 : index
    %swap3A_35 = arith.constant 0 : index
    %swap3A_36 = vector.load %arg2[%swap3A, %swap3A_35] : memref<1x2xf32, #tpu.memory_space<vmem>>, vector<1x2xf32>
    tpu.vector_store %arg2[%swap3A, %swap3A_35], %concatenate3A {strides = array<i32>} : memref<1x2xf32, #tpu.memory_space<vmem>>, vector<1x2xf32>,
    return
  }
}

</mosaic_0001>

<sc_bundles>
// kernel: kernel.6.cloned.1.call-start
scs
__scs_entry_jumppad:
0x0: {  	(pc) =	sbr.rel $0x88, $3  }
0x1: {  	(tag) =	ssettag $0x0;
	lr =	simm.s32 $0x1  }
0x2: {  	[smem:$0x3F9D] =	sst lr;
	_ =	strace $0xD0000000  }
0x3: {  	_ = 	snop  }
0x4: {  	_ = 	snop  }
0x5: {  	_ = 	snop  }
0x6: {  	_ = 	snop  }
0x7: {  	_ = 	snop  }
__scs_overlays_trampoline_lowered:
0x8: {  	[smem:$0x3FAC] =	sst s0  }
0x9: {  	[smem:$0x3FAD] =	sst s1  }
0xa: {  	[smem:$0x3FAE] =	sst s2  }
0xb: {  	[smem:$0x3FAF] =	sst s3  }
0xc: {  	[smem:$0x3FB0] =	sst s4  }
0xd: {  	[smem:$0x3FB1] =	sst s5  }
0xe: {  	[smem:$0x3FB2] =	sst s6  }
0xf: {  	[smem:$0x3FB3] =	sst s7  }
0x10: {  	[smem:$0x3FB4] =	sst s8  }
0x11: {  	[smem:$0x3FB5] =	sst s9;
	s0 =	simm.s32 @!p0 $0x0  }
0x12: {  	s1 =	sld [smem:$0x3F9B];
	s0 =	simm.s32 @p0 $0x1  }
0x13: {  	[smem:$0x3FB6] =	sst s0;
	s0 =	simm.s32 @!p1 $0x0  }
0x14: {  	s2 =	sld [smem:$0x3F9A];
	s0 =	simm.s32 @p1 $0x1  }
0x15: {  	[smem:$0x3FB7] =	sst s0;
	s0 =	simm.s32 @!p2 $0x0  }
0x16: {  	s3 =	sld [smem:$0x3FDB];
	s0 =	simm.s32 @p2 $0x1  }
0x17: {  	s4 =	simm.s32 $0x1BF5;
	[smem:$0x3FB9] =	sst s0  }
0x18: {  	s0 =	sld [smem:$0x3F9C];
	_ =	swait.ge [sflag:s4], $0x0  }
0x19: {  	s7 =	sld [smem:$0x3F9D]  }
0x1a: {  	s8 =	sadd.s32 $0xFFFFE003, lr  }
0x1b: {  	s9 =	sadd.s32 $0xFFFFFEF7, lr;
	s5 =	simm.s32 $0xFFFFFFFF;
	p2 =	slt.u32 s8, $0xFFFFF086  }
0x1c: {  	p1 =	slt.u32 s9, $0xF7A;
	s5 =	simm.s32 @!p2 $0x0  }
0x1d: {  	s5 =	simm.s32 @p1 $0x1;
	p0 =	seq.s32 s7, s2  }
0x1e: {  	s7 =	smul.u32 @!p0 $0xF7A, s2;
	p2 =	seq.s32 @!p0 s5, $0x0  }
0x1f: {  	s9 =	smul.u32 $0xF7A, s1;
	s8 =	simm.s32 @!p0 $0x1BF5;
	p2 =	por !p2, p0  }
0x20: {  	[sflag:s8] =	ssyncset.s32 @!p0 $0xFFFFF086;
	s6 =	sadd.s32 @!p0 s3, s7;
	s7 =	simm.s32 @!p0 $0x108  }
0x21: {  	s3 =	sadd.s32 s3, s9;
	s6 =	sadd.s32 @!p0 $0x88, s6;
	s7 =	simm.s32 @p2 $0x1082  }
0x22: {  	[simem:s7], [sflag:s8] =	dma.local @!p0 [hbm:s6], $0xF7A  }
0x23: {  	s9 =	sor.u32 $0xD0000000, s2;
	s6 =	simm.s32 $0x108;
	_ =	swait.ge @!p0 [sflag:s8], $0x0  }
0x24: {  	s3 =	sadd.s32 $0x88, s3;
	s6 =	simm.s32 @!p1 $0x1082;
	[sflag:s4] =	ssyncset.s32 $0xFFFFF086  }
0x25: {  	[simem:s6], [sflag:s4] =	dma.local [hbm:s3], $0xF7A  }
0x26: {  	[smem:$0x3F9D] =	sst s1;
	(tag) =	ssettag s2;
	_ =	strace s9  }
0x27: {  	s1 =	sld [smem:$0x3FAD]  }
0x28: {  	s2 =	sld [smem:$0x3FAE]  }
0x29: {  	s4 =	sld [smem:$0x3FB0]  }
0x2a: {  	p0 =	seq.s32 s5, $0x0;
	s5 =	sld [smem:$0x3FB1]  }
0x2b: {  	s6 =	sld [smem:$0x3FB2]  }
0x2c: {  	s7 =	sld [smem:$0x3FB3]  }
0x2d: {  	s3 =	simm.s32 $0x108;
	s8 =	sld [smem:$0x3FB4]  }
0x2e: {  	s3 =	simm.s32 @!p0 $0x1082;
	s9 =	sld [smem:$0x3FB5]  }
0x2f: {  	lr =	sadd.s32 s0, s3;
	s0 =	sld [smem:$0x3FAC]  }
0x30: {  	s3 =	sld [smem:$0x3FAF]  }
0x31: {  	[smem:$0x3FB8] =	sst s10  }
0x32: {  	s10 =	sld [smem:$0x3FB6];
	_ =	sdelay $0x3  }
0x33: {  	p0 =	seq.s32 s10, $0x1;
	s10 =	sld [smem:$0x3FB8];
	_ =	sdelay $0x3  }
0x34: {  	[smem:$0x3FB8] =	sst s10  }
0x35: {  	s10 =	sld [smem:$0x3FB7];
	_ =	sdelay $0x3  }
0x36: {  	p1 =	seq.s32 s10, $0x1;
	s10 =	sld [smem:$0x3FB8];
	_ =	sdelay $0x3  }
0x37: {  	[smem:$0x3FB8] =	sst s10  }
0x38: {  	s10 =	sld [smem:$0x3FB9]  }
0x39: {  	_ = 	snop;
	(pc) =	sbr.ind lr, $3  }
0x3a: {  	_ = 	snop  }
0x3b: {  	_ = 	snop  }
0x3c: {  	p2 =	seq.s32 s10, $0x1;
	s10 =	sld [smem:$0x3FB8]  }
0x3d: {  	_ =	shalt  }
0x3e: {  	_ =	shalt  }
0x3f: {  	_ =	shalt  }
0x40: {  	_ =	shalt  }
0x41: {  	_ =	shalt  }
0x42: {  	_ =	shalt  }
0x43: {  	_ =	shalt  }
0x44: {  	_ =	shalt  }
0x45: {  	_ =	shalt  }
0x46: {  	_ =	shalt  }
0x47: {  	_ =	shalt  }
0x48: {  	_ =	shalt  }
0x49: {  	_ =	shalt  }
0x4a: {  	_ =	shalt  }
0x4b: {  	_ =	shalt  }
0x4c: {  	_ =	shalt  }
0x4d: {  	_ =	shalt  }
0x4e: {  	_ =	shalt  }
0x4f: {  	_ =	shalt  }
0x50: {  	_ =	shalt  }
0x51: {  	_ =	shalt  }
0x52: {  	_ =	shalt  }
0x53: {  	_ =	shalt  }
0x54: {  	_ =	shalt  }
0x55: {  	_ =	shalt  }
0x56: {  	_ =	shalt  }
0x57: {  	_ =	shalt  }
0x58: {  	_ =	shalt  }
0x59: {  	_ =	shalt  }
0x5a: {  	_ =	shalt  }
0x5b: {  	_ =	shalt  }
0x5c: {  	_ =	shalt  }
0x5d: {  	_ =	shalt  }
0x5e: {  	_ =	shalt  }
0x5f: {  	_ =	shalt  }
0x60: {  	_ =	shalt  }
0x61: {  	_ =	shalt  }
0x62: {  	_ =	shalt  }
0x63: {  	_ =	shalt  }
0x64: {  	_ =	shalt  }
0x65: {  	_ =	shalt  }
0x66: {  	_ =	shalt  }
0x67: {  	_ =	shalt  }
0x68: {  	_ =	shalt  }
0x69: {  	_ =	shalt  }
0x6a: {  	_ =	shalt  }
0x6b: {  	_ =	shalt  }
0x6c: {  	_ =	shalt  }
0x6d: {  	_ =	shalt  }
0x6e: {  	_ =	shalt  }
0x6f: {  	_ =	shalt  }
0x70: {  	_ =	shalt  }
0x71: {  	_ =	shalt  }
0x72: {  	_ =	shalt  }
0x73: {  	_ =	shalt  }
0x74: {  	_ =	shalt  }
0x75: {  	_ =	shalt  }
0x76: {  	_ =	shalt  }
0x77: {  	_ =	shalt  }
0x78: {  	_ =	shalt  }
0x79: {  	_ =	shalt  }
0x7a: {  	_ =	shalt  }
0x7b: {  	_ =	shalt  }
0x7c: {  	_ =	shalt  }
0x7d: {  	_ =	shalt  }
0x7e: {  	_ =	shalt  }
0x7f: {  	_ =	shalt  }
0x80: {  	_ =	shalt  }
0x81: {  	_ =	shalt  }
0x82: {  	_ =	shalt  }
0x83: {  	_ =	shalt  }
0x84: {  	_ =	shalt  }
0x85: {  	_ =	shalt  }
0x86: {  	_ =	shalt  }
0x87: {  	_ =	shalt  }
.Lfunc_end0:
.L_simem_size_0:
called_computation_lowered:
.L_overlay_start_0:
0x88: {  	s2 =	sld [smem:$0x3FD9]  }
0x89: {  	s3 =	sld [smem:$0x3FFE];
	_ =	sdelay $0x1  }
0x8a: {  	s1 =	srdreg.scid  }
0x8b: {  	s0 =	sand.u32 $0x1, s1  }
0x8c: {  	s14 =	sshll.u32 s0, $0xA;
	s2 =	sadd.s32 s3, s2  }
0x8d: {  	s2 =	sadd.s32 s2, s14  }
0x8e: {  	[smem:$0x3FC4] =	sst s2  }
0x8f: {  	_ = 	snop  }
0x90: {  	s2 =	sld [smem:$0x3FD0];
	_ =	sdelay $0x2  }
0x91: {  	s15 =	simm.s32 $0xA;
	s4 =	simm.s32 $0x10  }
0x92: {  	[smem:s4], [sflag:s15] =	dma.local [hbm:s2], $0x1  }
0x93: {  	_ =	swait.eq [sflag:s15], $0x1  }
0x94: {  	[sflag:s15] =	ssyncset.done $0x0  }
0x95: {  	s16 =	sld [smem:$0x12];
	[sflag:s15] =	ssyncadd.s32 $0xFFFFFFFF  }
0x96: {  	s17 =	sld [smem:$0x13];
	(tm) =	ssettm $0x1  }
0x97: {  	s18 =	sld [smem:$0x3FFB];
	_ =	sdelay $0x3  }
0x98: {  	_ =	strace s18  }
0x99: {  	s4 =	sld [smem:$0x3FFC];
	_ =	sdelay $0x3  }
0x9a: {  	_ =	strace s4  }
0x9b: {  	s4 =	sld [smem:$0x3FFD];
	_ =	sdelay $0x3  }
0x9c: {  	_ =	strace s4  }
0x9d: {  	_ =	strace $0x8FFFFFFF  }
0x9e: {  	s19 =	sld [smem:$0x3FDB];
	_ =	sdelay $0x1  }
0x9f: {  	s5 =	simm.s32 $_scs_section_size  }
0xa0: {  	s6 =	simm.s32 $_size__tile_overlayer_lowered;
	s7 =	simm.s32 $_tile_overlayer_lowered  }
0xa1: {  	s22 =	simm.s32 $0x1BFF;
	s21 =	sshll.u32 s7, $0x1;
	s4 =	sadd.s32 s5, s19  }
0xa2: {  	s8 =	simm.s32 $0x0;
	s20 =	sshll.u32 s6, $0x1;
	s6 =	sadd.s32 s21, s4  }
0xa3: {  	[timem:s8], [sflag:s22] =	dma.local [hbm:s6], s20  }
0xa4: {  	_ =	swait.ge [sflag:s22], s20  }
0xa5: {  	s5 =	ssub.s32 $0x0, s20;
	[sflag:s22] =	ssyncset.done $0x0  }
0xa6: {  	[sflag:s22] =	ssyncadd.s32 s5;
	_ =	sdelay $0x1  }
0xa7: {  	s23 =	simm.s32 $0x1B8B  }
0xa8: {  	_ =	swait.ge [sflag:s23], $0x1  }
0xa9: {  	[sflag:s23] =	ssyncset.done $0x0  }
0xaa: {  	s25 =	simm.s32 $0x1B8E;
	s24 =	sld [smem:$0x3FFE];
	[sflag:s23] =	ssyncadd.s32 $0xFFFFFFFF  }
0xab: {  	s26 =	simm.s32 $execute0_lowered;
	[smem:$0x3FD2] =	sst s25  }
0xac: {  	s6 =	sshll.u32 s26, $0x1;
	_ =	strace $0x80000046;
	[dreg:$0x1] =	wrdreg $0xFFFFFFFF  }
0xad: {  	s28 =	simm.s32 $_size_execute0_lowered;
	s4 =	sadd.s32 s4, s6;
	[dreg:$0x0] =	wrdreg $0x0  }
0xae: {  	s6 =	sshll.u32 s28, $0x1;
	[dreg:$0x2] =	wrdreg s4  }
0xaf: {  	[dreg:$0x3] =	wrdreg s6  }
0xb0: {  	[dreg:$0x4] =	wrdreg $0xC0  }
0xb1: {  	_ =	task [dreg:s8], $0x5FFFF  }
0xb2: {  	[dreg:$0x1] =	wrdreg $0xFFFFFFFF  }
0xb3: {  	[dreg:$0x0] =	wrdreg $0x60  }
0xb4: {  	[dreg:$0x2] =	wrdreg s17  }
0xb5: {  	[dreg:$0x3] =	wrdreg s16  }
0xb6: {  	[dreg:$0x4] =	wrdreg s24  }
0xb7: {  	[dreg:$0x5] =	wrdreg $0x9  }
0xb8: {  	_ =	task.clear_ibuf [dreg:s8], $0x6FFFF;
	_ =	strace $0x90000046  }
0xb9: {  	s29 =	simm.s32 $0x9;
	_ =	strace $0x80000048  }
0xba: {  	_ =	swait.ge [sflag:s29], $0x1  }
0xbb: {  	[sflag:s29] =	ssyncadd.s32 $0xFFFFFFFF  }
0xbc: {  	_ =	strace $0x90000048  }
0xbd: {  	_ =	sfence  }
0xbe: {  	s30 =	sld [smem:$0x0];
	_ =	sdelay $0x2  }
0xbf: {  	s31 =	sshll.u32 s1, $0xD;
	s1 =	sshrl.u32 s1, $0x2  }
0xc0: {  	s3 =	sand.u32 $0x4000, s31;
	s1 =	sadd.s32 s1, s30  }
0xc1: {  	s0 =	sor.u32 s3, s0;
	s1 =	sshll.u32 s1, $0x11  }
0xc2: {  	s0 =	sor.u32 s1, s0  }
0xc3: {  	s0 =	sadd.s32 $0x8F2B, s0  }
0xc4: {  	[sflag:s0] =	ssyncadd.remote.s32 $0x1  }
0xc5: {  	_ =	sfence.sel $0xFFFF  }
0xc6: {  	[dreg:$0x0] =	wrdreg $0xFFFFFFFF;
	(pc) =	sbr.abs _section_cstart, $3  }
0xc7: {  	[dreg:$0x1] =	wrdreg $0xFFFFFFFF  }
0xc8: {  	_ =	task.clear_ibuf [dreg:s8], $0x2FFFF;
	_ =	strace $0x9FFFFFFF  }
0xc9: {  	(tm) =	ssettm $0x7FFFFFFF  }
tec
execute0_lowered:
.L_overlay_start_1:
0x0: {  	(tag) =	ssettag $0x1  }
0x1: {  	v0 =	vimm.s32 $0x1380;
	vm0 =	vcmask $0x300  }
0x2: {  	vm14 =	vcmask $0x704;
	v0 =	vsel vm0, $0x0, v0  }
0x3: {  	vm15 =	vcmask $0xB08;
	v0 =	vsel vm14, $0x80, v0  }
0x4: {  	vm4 =	vcmask $0xF0C;
	v0 =	vsel vm15, $0x100, v0  }
0x5: {  	vm5 =	vcmask $0x1310;
	s3 =	rddreg [dreg:$0x0];
	v0 =	vsel vm4, $0x180, v0  }
0x6: {  	s1 =	srdreg.scid;
	vm6 =	vcmask $0x1714;
	s5 =	rddreg [dreg:$0x1];
	v0 =	vsel vm5, $0x200, v0  }
0x7: {  	s0 =	stileid.u32;
	vm7 =	vcmask $0x1B18;
	s7 =	rddreg [dreg:$0x2];
	s2 =	simm.s32 $0x0;
	v0 =	vsel vm6, $0x280, v0  }
0x8: {  	vm8 =	vcmask $0x1F1C;
	s10 =	simm.s32 $0x80;
	s4 =	sand.u32 $0x1, s1;
	s30 =	sshll.u32 s0, $0x1;
	v0 =	vsel vm7, $0x300, v0  }
0x9: {  	vm9 =	vcmask $0x2320;
	s11 =	simm.s32 $0x400;
	s12 =	simm.s32 $0x2800;
	s6 =	sor.u32 s4, s30;
	v0 =	vsel vm8, $0x380, v0  }
0xa: {  	vm10 =	vcmask $0x2724;
	s8 =	sshll.u32 s0, $0xA;
	s1 =	rddreg [dreg:$0x3];
	s9 =	sshll.u32 s6, $0x7;
	v0 =	vsel vm9, $0x1000, v0  }
0xb: {  	vm11 =	vcmask $0x2B28;
	s13 =	simm.s32 $0x0;
	[smem:$0x7FF] =	sst s2;
	s8 =	sor.u32 s8, s9;
	v0 =	vsel vm10, $0x1080, v0  }
0xc: {  	vm12 =	vcmask $0x2F2C;
	_ =	strace $0x80000047;
	s4 =	ssub.s32 $0x2, s4;
	s8 =	sand.u32 $0x3380, s8;
	v0 =	vsel vm11, $0x1100, v0  }
0xd: {  	vm13 =	vcmask $0x3330;
	s31 =	sshrl.u32 s4, $0x1;
	s6 =	sshll.u32 s6, $0x8;
	s8 =	sshrl.u32 s8, $0x3;
	v0 =	vsel vm12, $0x1180, v0  }
0xe: {  	vm14 =	vcmask $0x3734;
	s3 =	sadd.s32 s3, s6;
	s5 =	sadd.s32 s5, s9;
	s7 =	sadd.s32 s8, s7;
	v0 =	vsel vm13, $0x1200, v0  }
0xf: {  	vm15 =	vcmask $0x3B38;
	s9 =	simm.s32 $0x800;
	s8 =	ssub.s32 s4, s31;
	s4 =	sadd.s32 $0x1C00, s7;
	v1 =	vsel vm14, $0x1280, v0  }
0x10: {  	v2 =	vimm.f32 $1.000000000e+00;
	s6 =	sadd.s32 $0x2400, s7;
	s7 =	smax.u32 s8, $0x1;
	s8 =	simm.s32 $0x1;
	v0 =	vimm.f32 $0.0e+00;
	v1 =	vsel vm15, $0x1300, v1  }
.LBB2_1:
0x11: {  	[tilespmem:s2], [sflag:$0x1] =	stream.linear.gather [hbm4b:s3+s2], $0x800, $0x38;
	[tilespmem:$0x2A00] =	vst v63  }
0x12: {  	_ =	swait.ge [sflag:s8], $0x800  }
0x13: {  	[sflag:s8] =	ssyncset.done $0x0  }
0x14: {  	s15 =	simm.s32 $0x0;
	[sflag:s8] =	ssyncadd.s32 $0xFFFFF800  }
.LBB2_2:
0x15: {  	s14 =	sshll.u32 s15, $0x9;
	s16 =	sshll.u32 s15, $0x7  }
0x16: {  	s14 =	sand.u32 $0x1000, s14;
	s16 =	sand.u32 $0x380, s16  }
0x17: {  	s16 =	sor.u32 s16, s14;
	s14 =	simm.s32 $0x0  }
0x18: {  	s16 =	sor.u32 $0x800, s16;
	s17 =	sand.u32 $0xC00, s14  }
0x19: {  	s18 =	sand.u32 $0x70, s14;
	s19 =	sadd.s32 s17, s16  }
0x1a: {  	s17 =	simm.s32 $0x10;
	s18 =	sadd.s32 s18, s19  }
.LBB2_3:
0x1b: {  	p0 =	sne.s32 s17, $0x1F0  }
0x1c: {  	[tilespmem:s18+$0x0] =	vst v0;
	s14 =	sadd.s32 $0x80, s14;
	s18 =	smov.u32 s17;
	s17 =	sadd.s32 $0x10, s17  }
.Ltmp0:
0x1d: {  	(pc) =	sbr.rel @p0 .LBB2_3-.Ltmp0, $4  }
0x1e: {  	_ = 	snop  }
0x1f: {  	s19 =	sand.u32 $0xC00, s14  }
0x20: {  	s18 =	sand.u32 $0x70, s18;
	s19 =	sadd.s32 s19, s16  }
0x21: {  	s18 =	sadd.s32 s18, s19  }
0x22: {  	s15 =	sadd.s32 $0x1, s15  }
0x23: {  	p0 =	sne.s32 s15, $0x10  }
.Ltmp1:
0x24: {  	_ = 	snop;
	(pc) =	sbr.rel @p0 .LBB2_2-.Ltmp1, $2  }
0x25: {  	_ =	sdelay $0x2  }
0x26: {  	[tilespmem:s18+$0x0] =	vst v0;
	s14 =	simm.s32 $0x0  }
0x27: {  	s16 =	sshra.s32 s14, $0x2;
	s15 =	sadd.s32 $0x40, s14  }
.LBB2_6:
0x28: {  	p0 =	sne.s32 s15, $0x1FC0;
	v3 =	vld [tilespmem:s16+$0x0];
	_ =	sdelay $0x4  }
0x29: {  	v4 =	vshll.u32 v3, $0x3  }
0x2a: {  	v3 =	vand.u32 $0x7F, v3;
	v4 =	vand.u32 $0xFFFFFC00, v4  }
0x2b: {  	v3 =	vor.u32 v3, v4  }
0x2c: {  	v3 =	vadd.s32 v1, v3  }
.Ltmp2:
0x2d: {  	(pc) =	sbr.rel @p0 .LBB2_6-.Ltmp2, $2  }
0x2e: {  	_ =	sdelay $0x2  }
0x2f: {  	s16 =	sshra.s32 s15, $0x2;
	s15 =	sadd.s32 $0x40, s15;
	[tilespmem:v3+s9+$0x0] =	vst.idx.add.f32.msk $0xffff, v2  }
0x30: {  	v3 =	vld [tilespmem:s16+$0x0];
	_ =	sdelay $0x4  }
0x31: {  	v4 =	vshll.u32 v3, $0x3  }
0x32: {  	v3 =	vand.u32 $0x7F, v3;
	v4 =	vand.u32 $0xFFFFFC00, v4  }
0x33: {  	v3 =	vor.u32 v3, v4  }
0x34: {  	v3 =	vadd.s32 v1, v3;
	_ =	sdelay $0x4  }
0x35: {  	[tilespmem:v3+s9+$0x0] =	vst.idx.add.f32.msk $0xffff, v2  }
.LBB2_8:
0x36: {  	s15 =	sshll.u32 s14, $0x4  }
0x37: {  	s16 =	sand.u32 $0x70, s15  }
0x38: {  	s17 =	sshll.u32 s14, $0x7;
	v3 =	vmov s16  }
0x39: {  	s31 =	simm.s32 $0x0;
	s30 =	sand.u32 $0xC00, s17  }
0x3a: {  	s18 =	sand.u32 $0x1000, s31;
	s16 =	sadd.s32 $0x800, s30  }
0x3b: {  	s17 =	sand.u32 $0x380, s31;
	s18 =	sadd.s32 s18, s16  }
0x3c: {  	s18 =	sadd.s32 s17, s18  }
0x3d: {  	v5 =	vld.idx.msk [tilespmem:v3+s18+$0x0 ss:$0x1], $0xffff  }
0x3e: {  	v4 =	vimm.f32 $0.0e+00;
	s17 =	simm.s32 $0x200;
	s18 =	simm.s32 $0x80  }
.LBB2_9:
0x3f: {  	s19 =	sand.u32 $0x1000, s17;
	p0 =	sne.s32 s17, $0x1E00;
	s17 =	sadd.s32 $0x200, s17  }
.Ltmp3:
0x40: {  	s20 =	sand.u32 $0x380, s18;
	s19 =	sadd.s32 s19, s16;
	(pc) =	sbr.rel @p0 .LBB2_9-.Ltmp3, $3  }
0x41: {  	s19 =	sadd.s32 s20, s19  }
0x42: {  	v4 =	vadd.f32 v5, v4;
	v5 =	vld.idx.msk [tilespmem:v3+s19+$0x0 ss:$0x1], $0xffff;
	_ =	sdelay $0x1  }
0x43: {  	s18 =	sadd.s32 $0x80, s18  }
0x44: {  	s14 =	sadd.s32 $0x1, s14  }
0x45: {  	p0 =	sne.s32 s14, $0x20  }
.Ltmp4:
0x46: {  	_ = 	snop;
	(pc) =	sbr.rel @p0 .LBB2_8-.Ltmp4, $4  }
0x47: {  	_ = 	snop  }
0x48: {  	v3 =	vadd.f32 v5, v4  }
0x49: {  	s15 =	sand.u32 $0x3FFFFFF0, s15  }
0x4a: {  	[tilespmem:s15+$0x2800] =	vst v3  }
0x4b: {  	[hbm4b:s4+s10] =	stream.strided.scatter [tilespmem:s12], [sflag:$0x1], $0x200, s11, s10, $0x38;
	[tilespmem:$0x2A00] =	vst v63  }
0x4c: {  	_ =	swait.ge [sflag:s8], $0x200  }
0x4d: {  	[sflag:s8] =	ssyncset.done $0x0  }
0x4e: {  	s15 =	simm.s32 $0x0;
	[sflag:s8] =	ssyncadd.s32 $0xFFFFFE00  }
0x4f: {  	[tilespmem:s15], [sflag:$0x1] =	stream.linear.gather [hbm4b:s5+s15], $0x400, $0x38;
	[tilespmem:$0x2A00] =	vst v63  }
0x50: {  	_ =	swait.ge [sflag:s8], $0x400  }
0x51: {  	[sflag:s8] =	ssyncset.done $0x0  }
0x52: {  	s16 =	simm.s32 $0x0;
	[sflag:s8] =	ssyncadd.s32 $0xFFFFFC00  }
.LBB2_12:
0x53: {  	s14 =	sshll.u32 s16, $0x9;
	s17 =	sshll.u32 s16, $0x7  }
0x54: {  	s14 =	sand.u32 $0x1000, s14;
	s17 =	sand.u32 $0x380, s17  }
0x55: {  	s14 =	sor.u32 s17, s14  }
0x56: {  	s31 =	sand.u32 $0xC00, s15;
	s14 =	sor.u32 $0x800, s14  }
0x57: {  	s18 =	sand.u32 $0x70, s15;
	s19 =	sadd.s32 s31, s14  }
0x58: {  	s17 =	simm.s32 $0x10;
	s19 =	sadd.s32 s18, s19;
	s18 =	simm.s32 $0x0  }
.LBB2_13:
0x59: {  	p0 =	sne.s32 s17, $0x1F0  }
0x5a: {  	[tilespmem:s19+$0x0] =	vst v0;
	s18 =	sadd.s32 $0x80, s18;
	s19 =	smov.u32 s17;
	s17 =	sadd.s32 $0x10, s17  }
.Ltmp5:
0x5b: {  	(pc) =	sbr.rel @p0 .LBB2_13-.Ltmp5, $4  }
0x5c: {  	_ = 	snop  }
0x5d: {  	s20 =	sand.u32 $0xC00, s18  }
0x5e: {  	s19 =	sand.u32 $0x70, s19;
	s20 =	sadd.s32 s20, s14  }
0x5f: {  	s19 =	sadd.s32 s19, s20  }
0x60: {  	s16 =	sadd.s32 $0x1, s16  }
0x61: {  	p0 =	sne.s32 s16, $0x10  }
.Ltmp6:
0x62: {  	_ = 	snop;
	(pc) =	sbr.rel @p0 .LBB2_12-.Ltmp6, $2  }
0x63: {  	_ =	sdelay $0x2  }
0x64: {  	[tilespmem:s19+$0x0] =	vst v0;
	s14 =	simm.s32 $0x0  }
0x65: {  	s16 =	sshra.s32 s14, $0x2;
	s15 =	sadd.s32 $0x40, s14  }
.LBB2_16:
0x66: {  	p0 =	sne.s32 s15, $0xFC0;
	v3 =	vld [tilespmem:s16+$0x0];
	_ =	sdelay $0x4  }
0x67: {  	v4 =	vshll.u32 v3, $0x3  }
0x68: {  	v3 =	vand.u32 $0x7F, v3;
	v4 =	vand.u32 $0xFFFFFC00, v4  }
0x69: {  	v3 =	vor.u32 v3, v4  }
0x6a: {  	v3 =	vadd.s32 v1, v3  }
.Ltmp7:
0x6b: {  	(pc) =	sbr.rel @p0 .LBB2_16-.Ltmp7, $2  }
0x6c: {  	_ =	sdelay $0x2  }
0x6d: {  	s16 =	sshra.s32 s15, $0x2;
	s15 =	sadd.s32 $0x40, s15;
	[tilespmem:v3+s9+$0x0] =	vst.idx.add.f32.msk $0xffff, v2  }
0x6e: {  	v3 =	vld [tilespmem:s16+$0x0];
	_ =	sdelay $0x4  }
0x6f: {  	v4 =	vshll.u32 v3, $0x3  }
0x70: {  	v3 =	vand.u32 $0x7F, v3;
	v4 =	vand.u32 $0xFFFFFC00, v4  }
0x71: {  	v3 =	vor.u32 v3, v4  }
0x72: {  	v3 =	vadd.s32 v1, v3;
	_ =	sdelay $0x4  }
0x73: {  	[tilespmem:v3+s9+$0x0] =	vst.idx.add.f32.msk $0xffff, v2  }
.LBB2_18:
0x74: {  	s15 =	sshll.u32 s14, $0x4  }
0x75: {  	s16 =	sand.u32 $0x70, s15  }
0x76: {  	s17 =	sshll.u32 s14, $0x7;
	v3 =	vmov s16  }
0x77: {  	s31 =	simm.s32 $0x0;
	s30 =	sand.u32 $0xC00, s17  }
0x78: {  	s18 =	sand.u32 $0x1000, s31;
	s16 =	sadd.s32 $0x800, s30  }
0x79: {  	s17 =	sand.u32 $0x380, s31;
	s18 =	sadd.s32 s18, s16  }
0x7a: {  	s18 =	sadd.s32 s17, s18  }
0x7b: {  	v5 =	vld.idx.msk [tilespmem:v3+s18+$0x0 ss:$0x1], $0xffff  }
0x7c: {  	v4 =	vimm.f32 $0.0e+00;
	s17 =	simm.s32 $0x200;
	s18 =	simm.s32 $0x80  }
.LBB2_19:
0x7d: {  	s19 =	sand.u32 $0x1000, s17;
	p0 =	sne.s32 s17, $0x1E00;
	s17 =	sadd.s32 $0x200, s17  }
.Ltmp8:
0x7e: {  	s20 =	sand.u32 $0x380, s18;
	s19 =	sadd.s32 s19, s16;
	(pc) =	sbr.rel @p0 .LBB2_19-.Ltmp8, $3  }
0x7f: {  	s19 =	sadd.s32 s20, s19  }
0x80: {  	v4 =	vadd.f32 v5, v4;
	v5 =	vld.idx.msk [tilespmem:v3+s19+$0x0 ss:$0x1], $0xffff;
	_ =	sdelay $0x1  }
0x81: {  	s18 =	sadd.s32 $0x80, s18  }
0x82: {  	s14 =	sadd.s32 $0x1, s14  }
0x83: {  	p0 =	sne.s32 s14, $0x20  }
.Ltmp9:
0x84: {  	_ = 	snop;
	(pc) =	sbr.rel @p0 .LBB2_18-.Ltmp9, $4  }
0x85: {  	_ = 	snop  }
0x86: {  	v3 =	vadd.f32 v5, v4  }
0x87: {  	s15 =	sand.u32 $0x3FFFFFF0, s15  }
0x88: {  	[tilespmem:s15+$0x2800] =	vst v3  }
0x89: {  	s13 =	sadd.s32 $0x1, s13  }
0x8a: {  	p0 =	sne.s32 s13, s7  }
.Ltmp10:
0x8b: {  	_ = 	snop;
	(pc) =	sbr.rel @p0 .LBB2_1-.Ltmp10, $4  }
0x8c: {  	[hbm4b:s6+s10] =	stream.strided.scatter [tilespmem:s12], [sflag:$0x1], $0x200, s11, s10, $0x38;
	[tilespmem:$0x2A00] =	vst v63  }
0x8d: {  	_ =	swait.ge [sflag:s8], $0x200  }
0x8e: {  	[sflag:s8] =	ssyncset.done $0x0  }
0x8f: {  	[sflag:s8] =	ssyncadd.s32 $0xFFFFFE00  }
0x90: {  	_ =	sfence.sel $0x180000  }
0x91: {  	[bflag:$0x0] =	sbarrier.arrive $0xFFFF  }
0x92: {  	p0 =	sne.s32 s0, $0x0;
	_ =	strace $0x90000047  }
0x93: {  	s0 =	sadd.s32 @!p0 $0x100000, s1;
	[bflag:$0x2] =	sbarrier.arrive $0xFFFF  }
0x94: {  	[sflag:s0] =	ssyncadd.tile.s32 @!p0 $0x1;
	_ =	shalt  }
.Lfunc_end2:
_tile_overlayer_lowered:
.L_overlay_start_2:
0x95: {  	(tag) =	ssettag $0x2  }
0x96: {  	s0 =	rddreg [dreg:$0x0];
	s2 =	stileid.u32  }
0x97: {  	s1 =	rddreg [dreg:$0x1];
	p0 =	sne.s32 s2, $0x0  }
0x98: {  	s3 =	rddreg [dreg:$0x2];
	[bflag:$0x3] =	sbarrier.arrive $0xFFFF;
	s2 =	simm.s32 @!p0 $0x1C01  }
0x99: {  	[timem:s3], [sflag:s2] =	dma.local @!p0 [hbm:s0], s1  }
0x9a: {  	s0 =	simm.s32 @!p0 $0x1  }
0x9b: {  	_ =	swait.ge @!p0 [sflag:s0], s1  }
0x9c: {  	s1 =	ssub.s32 @!p0 $0x0, s1;
	[sflag:s0] =	ssyncset.done @!p0 $0x0  }
0x9d: {  	[sflag:s0] =	ssyncadd.s32 @!p0 s1  }
0x9e: {  	[bflag:$0x3] =	sbarrier.arrive $0xFFFF  }
0x9f: {  	_ =	shalt  }

</sc_bundles>
